<compile_context>
chip_gen: v7x
topology: tpu7x:2x2x1
jax: 0.10.2.dev20260603
libtpu: 0.0.44.dev20260713+nightly
codegen_flags: <defaults>
</compile_context>

<pallas_src>
import functools

import jax
import jax.numpy as jnp
from jax import lax
from jax.experimental import pallas as pl
from jax.experimental.pallas import tpu as pltpu
from jax.experimental.pallas import tpu_sc as plsc

CLS_TOKEN_ID = 2

_NS = 16
_L = 16


def _xlane(vec, idx):
    dnums = lax.GatherDimensionNumbers(
        offset_dims=(), collapsed_slice_dims=(0,), start_index_map=(0,))
    return lax.gather(vec, idx[:, None], dnums, slice_sizes=(1,),
                      mode=lax.GatherScatterMode.PROMISE_IN_BOUNDS)


def _pool(ids, cmp16, table):
    B, S = ids.shape
    D = table.shape[-1]
    workers_per_row = _NS // B
    chunk = S // workers_per_row
    n_vec = chunk // _L

    mesh = plsc.VectorSubcoreMesh(core_axis_name="c", subcore_axis_name="s",
                                  num_cores=1)

    @functools.partial(
        pl.kernel,
        out_type=jax.ShapeDtypeStruct((B, D), jnp.float32),
        mesh=mesh,
        scratch_types=[
            pltpu.VMEM((chunk,), jnp.int32),
            pltpu.VMEM((_L,), jnp.int32),
            pltpu.VMEM((_L,), jnp.int32),
            pltpu.VMEM_SHARED((_NS * _L,), jnp.int32),
            pltpu.VMEM((_NS * _L,), jnp.int32),
            pltpu.VMEM((_L,), jnp.int32),
            pltpu.VMEM((B, D), jnp.float32),
            pltpu.SemaphoreType.DMA,
            pltpu.SemaphoreType.DMA,
        ],
    )
    def sc_kernel(ids_hbm, cmp_hbm, table_hbm, out_hbm,
                  ids_v, cmp_v, run_v, shared, part_v, idx_v, rows_v,
                  sem_a, sem_b):
        s = lax.axis_index("s")
        b = s // workers_per_row
        col0 = (s % workers_per_row) * chunk

        cp_cmp = pltpu.async_copy(cmp_hbm, cmp_v, sem_a)
        cp_ids = pltpu.async_copy(ids_hbm.at[b, pl.ds(col0, chunk)], ids_v,
                                  sem_b)
        cp_cmp.wait()
        cp_ids.wait()
        cv = cmp_v[...]

        lane = lax.iota(jnp.int32, _L)
        base = b * S + col0

        def scan_step(i, carry):
            run, pos = carry
            v = ids_v[pl.ds(i * _L, _L)]
            return jnp.where(v == cv, pos, run), pos + _L

        run, _ = lax.fori_loop(
            0, n_vec, scan_step,
            (jnp.full((_L,), -1, jnp.int32), lane + base), unroll=4)
        run_v[...] = run
        pltpu.sync_copy(run_v, shared.at[pl.ds(s * _L, _L)])
        plsc.subcore_barrier()

        @pl.when(s == 0)
        def _leader():
            pltpu.sync_copy(shared, part_v)

            def comb(j, m):
                return jnp.maximum(m, part_v[pl.ds(j * _L, _L)])

            iv = jnp.full((_L,), 0, jnp.int32)
            for r in range(B):
                m = lax.fori_loop(r * workers_per_row,
                                  (r + 1) * workers_per_row, comb,
                                  jnp.full((_L,), -1, jnp.int32))
                for k in (8, 4, 2, 1):
                    m = jnp.maximum(m, _xlane(m, lane ^ k))
                m = jnp.where(m < 0, r * S + (S - 1), m)
                iv = m if r == 0 else jnp.where(lane < r, iv, m)
            idx_v[...] = iv
            pltpu.async_copy(
                table_hbm.at[idx_v.at[pl.ds(0, B)]], rows_v, sem_a).wait()
            pltpu.sync_copy(rows_v, out_hbm)

    return sc_kernel(ids, cmp16, table)


def kernel(layer_states, input_ids, return_final):
    B, S = input_ids.shape
    D = layer_states.shape[-1]
    table = layer_states.reshape(B * S, D)
    cmp16 = jnp.broadcast_to(
        jnp.where(return_final, CLS_TOKEN_ID, -1).astype(jnp.int32), (_L,))
    return _pool(input_ids, cmp16, table)

# --- scband reference (transcript-rebuilt; emitter-appended) ---
"""Pipeline reference for scband-lswttoken-pooler-cls-75625784148376 (READ-ONLY COPY).

The authoritative reference and input builder live on the scoring server;
editing this copy changes nothing except your own understanding.
"""

import jax, jax.numpy as jnp
import numpy as np

CLS_TOKEN_ID = 2

def setup_inputs(seed: int = 0) -> dict:
    key = jax.random.key(seed)
    k1, k2 = jax.random.split(key)
    layer_states = jax.random.normal(k1, (4, 8192, 2048), dtype=jnp.float32)
    # fill=randint, fill_max=100 guarantees cls_token_id=2 appears in every row w.h.p.
    input_ids = jax.random.randint(k2, (4, 8192), 0, 100, dtype=jnp.int32)
    return {"layer_states": layer_states, "input_ids": input_ids, "return_final": True}

def reference(layer_states, input_ids, return_final):
    B, S = input_ids.shape
    batch_ids = jnp.arange(B)
    seq_ids = jnp.arange(S)
    # last position where input_ids == cls_token_id (or -1 if absent)
    end_idx = jnp.max(jnp.where(input_ids == CLS_TOKEN_ID, seq_ids[None, :], -1), axis=-1)
    end_idx = jnp.where(return_final, end_idx, -1)
    return layer_states[batch_ids, end_idx]

if __name__ == "__main__":
    import jax
    _d = setup_inputs()
    print(jax.jit(kernel)(*tuple(_d.values())))

</pallas_src>

<mosaic_0001>
#map = affine_map<(d0, d1) -> (0, 0)>
#map1 = affine_map<(d0, d1) -> (0)>
module attributes {stable_mosaic.version = 14 : i64} {
  func.func @sc_kernel(%arg0: i32, %arg1: i32, %arg2: memref<4x8192xi32, #tpu.memory_space<hbm>>, %arg3: memref<16xi32, #tpu.memory_space<hbm>>, %arg4: memref<32768x2048xf32, #tpu.memory_space<hbm>>, %arg5: memref<4x2048xf32, #tpu.memory_space<hbm>>, %arg6: memref<2048xi32, #tpu.memory_space<vmem>>, %arg7: memref<16xi32, #tpu.memory_space<vmem>>, %arg8: memref<16xi32, #tpu.memory_space<vmem>>, %arg9: memref<256xi32, #tpu.memory_space<vmem_shared>>, %arg10: memref<256xi32, #tpu.memory_space<vmem>>, %arg11: memref<16xi32, #tpu.memory_space<vmem>>, %arg12: memref<4x2048xf32, #tpu.memory_space<vmem>>, %arg13: memref<!tpu.dma_semaphore, #tpu.memory_space<semaphore_mem>>, %arg14: memref<!tpu.dma_semaphore, #tpu.memory_space<semaphore_mem>>) attributes {dimension_semantics = [#tpu.dimension_semantics<core_parallel>, #tpu.dimension_semantics<subcore_parallel>], iteration_bounds = array<i64: 1, 16>, scalar_prefetch = 0 : i64, scratch_operands = 9 : i64, tpu.core_type = #tpu.core_type<sc_vector_subcore>, window_params = [{transform_indices = #map}, {transform_indices = #map1}, {transform_indices = #map}, {transform_indices = #map}]} {
    %jit3A = arith.constant 4 : i32
    %div3A = arith.divsi %arg1, %jit3A : i32
    %sign3A = arith.constant 0 : i32
    %sign3A_0 = arith.cmpi sgt, %arg1, %sign3A : i32
    %sign3A_1 = arith.extui %sign3A_0 : i1 to i32
    %sign3A_2 = arith.constant 0 : i32
    %sign3A_3 = arith.cmpi slt, %arg1, %sign3A_2 : i32
    %sign3A_4 = arith.extui %sign3A_3 : i1 to i32
    %sign3A_5 = arith.subi %sign3A_1, %sign3A_4 : i32
    %sign3A_6 = arith.constant 0 : i32
    %sign3A_7 = arith.cmpi sgt, %jit3A, %sign3A_6 : i32
    %sign3A_8 = arith.extui %sign3A_7 : i1 to i32
    %sign3A_9 = arith.constant 0 : i32
    %sign3A_10 = arith.cmpi slt, %jit3A, %sign3A_9 : i32
    %sign3A_11 = arith.extui %sign3A_10 : i1 to i32
    %sign3A_12 = arith.subi %sign3A_8, %sign3A_11 : i32
    %ne3A = arith.cmpi ne, %sign3A_5, %sign3A_12 : i32
    %rem3A = arith.remsi %arg1, %jit3A : i32
    %ne3A_13 = arith.constant 0 : i32
    %ne3A_14 = arith.cmpi ne, %rem3A, %ne3A_13 : i32
    %and3A = arith.andi %ne3A, %ne3A_14 : i1
    %sub3A = arith.constant 1 : i32
    %sub3A_15 = arith.subi %div3A, %sub3A : i32
    %select_n3A = arith.select %and3A, %sub3A_15, %div3A : i32
    %jit3A_16 = arith.constant 4 : i32
    %eq3A = arith.constant 0 : i32
    %eq3A_17 = arith.cmpi eq, %jit3A_16, %eq3A : i32
    %jit3A_18 = arith.constant 1 : i32
    %select_n3A_19 = arith.select %eq3A_17, %jit3A_18, %jit3A_16 : i32
    %rem3A_20 = arith.remsi %arg1, %select_n3A_19 : i32
    %ne3A_21 = arith.constant 0 : i32
    %ne3A_22 = arith.cmpi ne, %rem3A_20, %ne3A_21 : i32
    %lt3A = arith.constant 0 : i32
    %lt3A_23 = arith.cmpi slt, %rem3A_20, %lt3A : i32
    %lt3A_24 = arith.constant 0 : i32
    %lt3A_25 = arith.cmpi slt, %select_n3A_19, %lt3A_24 : i32
    %ne3A_26 = arith.xori %lt3A_23, %lt3A_25 : i1
    %and3A_27 = arith.andi %ne3A_26, %ne3A_22 : i1
    %add3A = arith.addi %rem3A_20, %select_n3A_19 : i32
    %select_n3A_28 = arith.select %and3A_27, %add3A, %rem3A_20 : i32
    %mul3A = arith.constant 2048 : i32
    %mul3A_29 = arith.muli %select_n3A_28, %mul3A : i32
    tpu.enqueue_dma source(%arg3 : memref<16xi32, #tpu.memory_space<hbm>>) target(%arg7 : memref<16xi32, #tpu.memory_space<vmem>>) target_semaphore(%arg13 : memref<!tpu.dma_semaphore, #tpu.memory_space<semaphore_mem>>)
    %dma_start3A = tpu.memref_slice %arg2[%select_n3A, %mul3A_29] : memref<4x8192xi32, #tpu.memory_space<hbm>> -> memref<1x2048xi32, #tpu.memory_space<hbm>>
    %dma_start3A_30 = tpu.memref_squeeze %dma_start3A : memref<1x2048xi32, #tpu.memory_space<hbm>> -> memref<2048xi32, #tpu.memory_space<hbm>>
    %dma_start3A_31 = tpu.memref_slice %arg2[%select_n3A, %mul3A_29] : memref<4x8192xi32, #tpu.memory_space<hbm>> -> memref<1x2048xi32, #tpu.memory_space<hbm>>
    %dma_start3A_32 = tpu.memref_squeeze %dma_start3A_31 : memref<1x2048xi32, #tpu.memory_space<hbm>> -> memref<2048xi32, #tpu.memory_space<hbm>>
    tpu.enqueue_dma source(%dma_start3A_32 : memref<2048xi32, #tpu.memory_space<hbm>>) target(%arg6 : memref<2048xi32, #tpu.memory_space<vmem>>) target_semaphore(%arg14 : memref<!tpu.dma_semaphore, #tpu.memory_space<semaphore_mem>>)
    tpu.wait_dma2 semaphore(%arg13 : memref<!tpu.dma_semaphore, #tpu.memory_space<semaphore_mem>>) src(%arg3 : memref<16xi32, #tpu.memory_space<hbm>>) dst(%arg7 : memref<16xi32, #tpu.memory_space<vmem>>)
    %dma_wait3A = tpu.memref_slice %arg2[%select_n3A, %mul3A_29] : memref<4x8192xi32, #tpu.memory_space<hbm>> -> memref<1x2048xi32, #tpu.memory_space<hbm>>
    %dma_wait3A_33 = tpu.memref_squeeze %dma_wait3A : memref<1x2048xi32, #tpu.memory_space<hbm>> -> memref<2048xi32, #tpu.memory_space<hbm>>
    %dma_wait3A_34 = tpu.memref_slice %arg2[%select_n3A, %mul3A_29] : memref<4x8192xi32, #tpu.memory_space<hbm>> -> memref<1x2048xi32, #tpu.memory_space<hbm>>
    %dma_wait3A_35 = tpu.memref_squeeze %dma_wait3A_34 : memref<1x2048xi32, #tpu.memory_space<hbm>> -> memref<2048xi32, #tpu.memory_space<hbm>>
    tpu.wait_dma2 semaphore(%arg14 : memref<!tpu.dma_semaphore, #tpu.memory_space<semaphore_mem>>) src(%dma_wait3A_35 : memref<2048xi32, #tpu.memory_space<hbm>>) dst(%arg6 : memref<2048xi32, #tpu.memory_space<vmem>>)
    %get3A = arith.constant 0 : index
    %get3A_36 = tpu.vector_load %arg7[%get3A] {strides = array<i32>} : memref<16xi32, #tpu.memory_space<vmem>>, vector<16xi32>,
    %get3A_37 = vector.shape_cast %get3A_36 : vector<16xi32> to vector<16xi32>
    %iota3A = tpu.iota {dimensions = array<i32: 0>} : vector<16xi32>
    %mul3A_38 = arith.constant 8192 : i32
    %mul3A_39 = arith.muli %select_n3A, %mul3A_38 : i32
    %add3A_40 = arith.addi %mul3A_39, %mul3A_29 : i32
    %broadcast_in_dim3A = arith.constant -1 : i32
    %broadcast_in_dim3A_41 = vector.broadcast %broadcast_in_dim3A : i32 to vector<16xi32>
    %add3A_42 = vector.broadcast %add3A_40 : i32 to vector<16xi32>
    %add3A_43 = arith.addi %iota3A, %add3A_42 : vector<16xi32>
    %scan3A = arith.constant 0 : i32
    %scan3A_44 = arith.constant 128 : i32
    %scan3A_45 = arith.addi %scan3A, %scan3A_44 : i32
    %scan3A_46 = arith.constant 4 : i32
    %scan3A_47:2 = scf.for %scan3A_57 = %scan3A to %scan3A_45 step %scan3A_46 iter_args(%scan3A_58 = %broadcast_in_dim3A_41, %scan3A_59 = %add3A_43) -> (vector<16xi32>, vector<16xi32>)  : i32 {
      %mul3A_60 = arith.constant 16 : i32
      %mul3A_61 = arith.muli %scan3A_57, %mul3A_60 : i32
      %get3A_62 = arith.index_cast %mul3A_61 : i32 to index
      %get3A_63 = tpu.vector_load %arg6[%get3A_62] {strides = array<i32>} : memref<2048xi32, #tpu.memory_space<vmem>>, vector<16xi32>,
      %get3A_64 = vector.shape_cast %get3A_63 : vector<16xi32> to vector<16xi32>
      %eq3A_65 = arith.cmpi eq, %get3A_64, %get3A_37 : vector<16xi32>
      %select_n3A_66 = arith.select %eq3A_65, %scan3A_59, %scan3A_58 : vector<16xi1>, vector<16xi32>
      %add3A_67 = arith.constant 16 : i32
      %add3A_68 = vector.broadcast %add3A_67 : i32 to vector<16xi32>
      %add3A_69 = arith.addi %scan3A_59, %add3A_68 : vector<16xi32>
      %scan3A_70 = arith.constant 1 : i32
      %scan3A_71 = arith.addi %scan3A_57, %scan3A_70 : i32
      %mul3A_72 = arith.constant 16 : i32
      %mul3A_73 = arith.muli %scan3A_71, %mul3A_72 : i32
      %get3A_74 = arith.index_cast %mul3A_73 : i32 to index
      %get3A_75 = tpu.vector_load %arg6[%get3A_74] {strides = array<i32>} : memref<2048xi32, #tpu.memory_space<vmem>>, vector<16xi32>,
      %get3A_76 = vector.shape_cast %get3A_75 : vector<16xi32> to vector<16xi32>
      %eq3A_77 = arith.cmpi eq, %get3A_76, %get3A_37 : vector<16xi32>
      %select_n3A_78 = arith.select %eq3A_77, %add3A_69, %select_n3A_66 : vector<16xi1>, vector<16xi32>
      %add3A_79 = arith.constant 16 : i32
      %add3A_80 = vector.broadcast %add3A_79 : i32 to vector<16xi32>
      %add3A_81 = arith.addi %add3A_69, %add3A_80 : vector<16xi32>
      %scan3A_82 = arith.constant 2 : i32
      %scan3A_83 = arith.addi %scan3A_57, %scan3A_82 : i32
      %mul3A_84 = arith.constant 16 : i32
      %mul3A_85 = arith.muli %scan3A_83, %mul3A_84 : i32
      %get3A_86 = arith.index_cast %mul3A_85 : i32 to index
      %get3A_87 = tpu.vector_load %arg6[%get3A_86] {strides = array<i32>} : memref<2048xi32, #tpu.memory_space<vmem>>, vector<16xi32>,
      %get3A_88 = vector.shape_cast %get3A_87 : vector<16xi32> to vector<16xi32>
      %eq3A_89 = arith.cmpi eq, %get3A_88, %get3A_37 : vector<16xi32>
      %select_n3A_90 = arith.select %eq3A_89, %add3A_81, %select_n3A_78 : vector<16xi1>, vector<16xi32>
      %add3A_91 = arith.constant 16 : i32
      %add3A_92 = vector.broadcast %add3A_91 : i32 to vector<16xi32>
      %add3A_93 = arith.addi %add3A_81, %add3A_92 : vector<16xi32>
      %scan3A_94 = arith.constant 3 : i32
      %scan3A_95 = arith.addi %scan3A_57, %scan3A_94 : i32
      %mul3A_96 = arith.constant 16 : i32
      %mul3A_97 = arith.muli %scan3A_95, %mul3A_96 : i32
      %get3A_98 = arith.index_cast %mul3A_97 : i32 to index
      %get3A_99 = tpu.vector_load %arg6[%get3A_98] {strides = array<i32>} : memref<2048xi32, #tpu.memory_space<vmem>>, vector<16xi32>,
      %get3A_100 = vector.shape_cast %get3A_99 : vector<16xi32> to vector<16xi32>
      %eq3A_101 = arith.cmpi eq, %get3A_100, %get3A_37 : vector<16xi32>
      %select_n3A_102 = arith.select %eq3A_101, %add3A_93, %select_n3A_90 : vector<16xi1>, vector<16xi32>
      %add3A_103 = arith.constant 16 : i32
      %add3A_104 = vector.broadcast %add3A_103 : i32 to vector<16xi32>
      %add3A_105 = arith.addi %add3A_93, %add3A_104 : vector<16xi32>
      scf.yield %select_n3A_102, %add3A_105 : vector<16xi32>, vector<16xi32>
    }
    %scan3A_48 = arith.constant 128 : i32
    %swap3A = arith.constant 0 : index
    %swap3A_49 = tpu.vector_load %arg8[%swap3A] {strides = array<i32>} : memref<16xi32, #tpu.memory_space<vmem>>, vector<16xi32>,
    %swap3A_50 = vector.shape_cast %swap3A_49 : vector<16xi32> to vector<16xi32>
    %swap3A_51 = vector.shape_cast %scan3A_47#0 : vector<16xi32> to vector<16xi32>
    tpu.vector_store %arg8[%swap3A], %swap3A_51 {strides = array<i32>} : memref<16xi32, #tpu.memory_space<vmem>>, vector<16xi32>,
    %mul3A_52 = arith.constant 16 : i32
    %mul3A_53 = arith.muli %arg1, %mul3A_52 : i32
    "tpu.region"() ({
      %run_scoped3A = tpu.sem_alloc : memref<!tpu.dma_semaphore, #tpu.memory_space<semaphore_mem>>
      %dma_start3A_57 = tpu.memref_slice %arg9[%mul3A_53] : memref<256xi32, #tpu.memory_space<vmem_shared>> -> memref<16xi32, #tpu.memory_space<vmem_shared>>
      %dma_start3A_58 = tpu.memref_slice %arg9[%mul3A_53] : memref<256xi32, #tpu.memory_space<vmem_shared>> -> memref<16xi32, #tpu.memory_space<vmem_shared>>
      tpu.enqueue_dma source(%arg8 : memref<16xi32, #tpu.memory_space<vmem>>) target(%dma_start3A_58 : memref<16xi32, #tpu.memory_space<vmem_shared>>) target_semaphore(%run_scoped3A : memref<!tpu.dma_semaphore, #tpu.memory_space<semaphore_mem>>)
      %dma_wait3A_59 = tpu.memref_slice %arg9[%mul3A_53] : memref<256xi32, #tpu.memory_space<vmem_shared>> -> memref<16xi32, #tpu.memory_space<vmem_shared>>
      %dma_wait3A_60 = tpu.memref_slice %arg9[%mul3A_53] : memref<256xi32, #tpu.memory_space<vmem_shared>> -> memref<16xi32, #tpu.memory_space<vmem_shared>>
      tpu.wait_dma2 semaphore(%run_scoped3A : memref<!tpu.dma_semaphore, #tpu.memory_space<semaphore_mem>>) src(%arg8 : memref<16xi32, #tpu.memory_space<vmem>>) dst(%dma_wait3A_60 : memref<16xi32, #tpu.memory_space<vmem_shared>>)
      tpu.yield
    }) : () -> ()
    %barrier3A = arith.constant 0 : index
    tpu.barrier barrier_id(%barrier3A)
    %eq3A_54 = arith.constant 0 : i32
    %eq3A_55 = arith.cmpi eq, %arg1, %eq3A_54 : i32
    %convert_element_type3A = arith.extui %eq3A_55 : i1 to i32
    %cond3A = arith.constant 0 : i32
    %cond3A_56 = arith.cmpi ne, %convert_element_type3A, %cond3A : i32
    scf.if %cond3A_56 {
      "tpu.region"() ({
        %run_scoped3A = tpu.sem_alloc : memref<!tpu.dma_semaphore, #tpu.memory_space<semaphore_mem>>
        tpu.enqueue_dma source(%arg9 : memref<256xi32, #tpu.memory_space<vmem_shared>>) target(%arg10 : memref<256xi32, #tpu.memory_space<vmem>>) target_semaphore(%run_scoped3A : memref<!tpu.dma_semaphore, #tpu.memory_space<semaphore_mem>>)
        tpu.wait_dma2 semaphore(%run_scoped3A : memref<!tpu.dma_semaphore, #tpu.memory_space<semaphore_mem>>) src(%arg9 : memref<256xi32, #tpu.memory_space<vmem_shared>>) dst(%arg10 : memref<256xi32, #tpu.memory_space<vmem>>)
        tpu.yield
      }) : () -> ()
      %broadcast_in_dim3A_57 = arith.constant 0 : i32
      %broadcast_in_dim3A_58 = vector.broadcast %broadcast_in_dim3A_57 : i32 to vector<16xi32>
      %broadcast_in_dim3A_59 = arith.constant -1 : i32
      %broadcast_in_dim3A_60 = vector.broadcast %broadcast_in_dim3A_59 : i32 to vector<16xi32>
      %scan3A_61 = arith.constant 0 : i32
      %scan3A_62 = arith.constant 4 : i32
      %scan3A_63 = arith.addi %scan3A_61, %scan3A_62 : i32
      %scan3A_64 = arith.constant 1 : i32
      %scan3A_65 = scf.for %scan3A_250 = %scan3A_61 to %scan3A_63 step %scan3A_64 iter_args(%scan3A_251 = %broadcast_in_dim3A_60) -> (vector<16xi32>)  : i32 {
        %mul3A_252 = arith.constant 16 : i32
        %mul3A_253 = arith.muli %scan3A_250, %mul3A_252 : i32
        %get3A_254 = arith.index_cast %mul3A_253 : i32 to index
        %get3A_255 = tpu.vector_load %arg10[%get3A_254] {strides = array<i32>} : memref<256xi32, #tpu.memory_space<vmem>>, vector<16xi32>,
        %get3A_256 = vector.shape_cast %get3A_255 : vector<16xi32> to vector<16xi32>
        %max3A_257 = arith.maxsi %scan3A_251, %get3A_256 : vector<16xi32>
        scf.yield %max3A_257 : vector<16xi32>
      }
      %scan3A_66 = arith.constant 4 : i32
      %xor3A = arith.constant 8 : i32
      %xor3A_67 = vector.broadcast %xor3A : i32 to vector<16xi32>
      %xor3A_68 = arith.xori %iota3A, %xor3A_67 : vector<16xi32>
      %broadcast_in_dim3A_69 = vector.shape_cast %xor3A_68 : vector<16xi32> to vector<16x1xi32>
      %gather3A = vector.shape_cast %broadcast_in_dim3A_69 : vector<16x1xi32> to vector<16xi32>
      %gather3A_70 = tpu.dynamic_gather %scan3A_65[%gather3A] in [0] : vector<16xi32>, vector<16xi32> -> vector<16xi32>
      %max3A = arith.maxsi %scan3A_65, %gather3A_70 : vector<16xi32>
      %xor3A_71 = arith.constant 4 : i32
      %xor3A_72 = vector.broadcast %xor3A_71 : i32 to vector<16xi32>
      %xor3A_73 = arith.xori %iota3A, %xor3A_72 : vector<16xi32>
      %broadcast_in_dim3A_74 = vector.shape_cast %xor3A_73 : vector<16xi32> to vector<16x1xi32>
      %gather3A_75 = vector.shape_cast %broadcast_in_dim3A_74 : vector<16x1xi32> to vector<16xi32>
      %gather3A_76 = tpu.dynamic_gather %max3A[%gather3A_75] in [0] : vector<16xi32>, vector<16xi32> -> vector<16xi32>
      %max3A_77 = arith.maxsi %max3A, %gather3A_76 : vector<16xi32>
      %xor3A_78 = arith.constant 2 : i32
      %xor3A_79 = vector.broadcast %xor3A_78 : i32 to vector<16xi32>
      %xor3A_80 = arith.xori %iota3A, %xor3A_79 : vector<16xi32>
      %broadcast_in_dim3A_81 = vector.shape_cast %xor3A_80 : vector<16xi32> to vector<16x1xi32>
      %gather3A_82 = vector.shape_cast %broadcast_in_dim3A_81 : vector<16x1xi32> to vector<16xi32>
      %gather3A_83 = tpu.dynamic_gather %max3A_77[%gather3A_82] in [0] : vector<16xi32>, vector<16xi32> -> vector<16xi32>
      %max3A_84 = arith.maxsi %max3A_77, %gather3A_83 : vector<16xi32>
      %xor3A_85 = arith.constant 1 : i32
      %xor3A_86 = vector.broadcast %xor3A_85 : i32 to vector<16xi32>
      %xor3A_87 = arith.xori %iota3A, %xor3A_86 : vector<16xi32>
      %broadcast_in_dim3A_88 = vector.shape_cast %xor3A_87 : vector<16xi32> to vector<16x1xi32>
      %gather3A_89 = vector.shape_cast %broadcast_in_dim3A_88 : vector<16x1xi32> to vector<16xi32>
      %gather3A_90 = tpu.dynamic_gather %max3A_84[%gather3A_89] in [0] : vector<16xi32>, vector<16xi32> -> vector<16xi32>
      %max3A_91 = arith.maxsi %max3A_84, %gather3A_90 : vector<16xi32>
      %lt3A_92 = arith.constant 0 : i32
      %lt3A_93 = vector.broadcast %lt3A_92 : i32 to vector<16xi32>
      %lt3A_94 = arith.cmpi slt, %max3A_91, %lt3A_93 : vector<16xi32>
      %jit3A_95 = arith.constant 8191 : i32
      %broadcast_in_dim3A_96 = vector.broadcast %jit3A_95 : i32 to vector<16xi32>
      %select_n3A_97 = arith.select %lt3A_94, %broadcast_in_dim3A_96, %max3A_91 : vector<16xi1>, vector<16xi32>
      %broadcast_in_dim3A_98 = arith.constant -1 : i32
      %broadcast_in_dim3A_99 = vector.broadcast %broadcast_in_dim3A_98 : i32 to vector<16xi32>
      %scan3A_100 = arith.constant 4 : i32
      %scan3A_101 = arith.constant 4 : i32
      %scan3A_102 = arith.addi %scan3A_100, %scan3A_101 : i32
      %scan3A_103 = arith.constant 1 : i32
      %scan3A_104 = scf.for %scan3A_250 = %scan3A_100 to %scan3A_102 step %scan3A_103 iter_args(%scan3A_251 = %broadcast_in_dim3A_99) -> (vector<16xi32>)  : i32 {
        %mul3A_252 = arith.constant 16 : i32
        %mul3A_253 = arith.muli %scan3A_250, %mul3A_252 : i32
        %get3A_254 = arith.index_cast %mul3A_253 : i32 to index
        %get3A_255 = tpu.vector_load %arg10[%get3A_254] {strides = array<i32>} : memref<256xi32, #tpu.memory_space<vmem>>, vector<16xi32>,
        %get3A_256 = vector.shape_cast %get3A_255 : vector<16xi32> to vector<16xi32>
        %max3A_257 = arith.maxsi %scan3A_251, %get3A_256 : vector<16xi32>
        scf.yield %max3A_257 : vector<16xi32>
      }
      %scan3A_105 = arith.constant 4 : i32
      %xor3A_106 = arith.constant 8 : i32
      %xor3A_107 = vector.broadcast %xor3A_106 : i32 to vector<16xi32>
      %xor3A_108 = arith.xori %iota3A, %xor3A_107 : vector<16xi32>
      %broadcast_in_dim3A_109 = vector.shape_cast %xor3A_108 : vector<16xi32> to vector<16x1xi32>
      %gather3A_110 = vector.shape_cast %broadcast_in_dim3A_109 : vector<16x1xi32> to vector<16xi32>
      %gather3A_111 = tpu.dynamic_gather %scan3A_104[%gather3A_110] in [0] : vector<16xi32>, vector<16xi32> -> vector<16xi32>
      %max3A_112 = arith.maxsi %scan3A_104, %gather3A_111 : vector<16xi32>
      %xor3A_113 = arith.constant 4 : i32
      %xor3A_114 = vector.broadcast %xor3A_113 : i32 to vector<16xi32>
      %xor3A_115 = arith.xori %iota3A, %xor3A_114 : vector<16xi32>
      %broadcast_in_dim3A_116 = vector.shape_cast %xor3A_115 : vector<16xi32> to vector<16x1xi32>
      %gather3A_117 = vector.shape_cast %broadcast_in_dim3A_116 : vector<16x1xi32> to vector<16xi32>
      %gather3A_118 = tpu.dynamic_gather %max3A_112[%gather3A_117] in [0] : vector<16xi32>, vector<16xi32> -> vector<16xi32>
      %max3A_119 = arith.maxsi %max3A_112, %gather3A_118 : vector<16xi32>
      %xor3A_120 = arith.constant 2 : i32
      %xor3A_121 = vector.broadcast %xor3A_120 : i32 to vector<16xi32>
      %xor3A_122 = arith.xori %iota3A, %xor3A_121 : vector<16xi32>
      %broadcast_in_dim3A_123 = vector.shape_cast %xor3A_122 : vector<16xi32> to vector<16x1xi32>
      %gather3A_124 = vector.shape_cast %broadcast_in_dim3A_123 : vector<16x1xi32> to vector<16xi32>
      %gather3A_125 = tpu.dynamic_gather %max3A_119[%gather3A_124] in [0] : vector<16xi32>, vector<16xi32> -> vector<16xi32>
      %max3A_126 = arith.maxsi %max3A_119, %gather3A_125 : vector<16xi32>
      %xor3A_127 = arith.constant 1 : i32
      %xor3A_128 = vector.broadcast %xor3A_127 : i32 to vector<16xi32>
      %xor3A_129 = arith.xori %iota3A, %xor3A_128 : vector<16xi32>
      %broadcast_in_dim3A_130 = vector.shape_cast %xor3A_129 : vector<16xi32> to vector<16x1xi32>
      %gather3A_131 = vector.shape_cast %broadcast_in_dim3A_130 : vector<16x1xi32> to vector<16xi32>
      %gather3A_132 = tpu.dynamic_gather %max3A_126[%gather3A_131] in [0] : vector<16xi32>, vector<16xi32> -> vector<16xi32>
      %max3A_133 = arith.maxsi %max3A_126, %gather3A_132 : vector<16xi32>
      %lt3A_134 = arith.constant 0 : i32
      %lt3A_135 = vector.broadcast %lt3A_134 : i32 to vector<16xi32>
      %lt3A_136 = arith.cmpi slt, %max3A_133, %lt3A_135 : vector<16xi32>
      %jit3A_137 = arith.constant 16383 : i32
      %broadcast_in_dim3A_138 = vector.broadcast %jit3A_137 : i32 to vector<16xi32>
      %select_n3A_139 = arith.select %lt3A_136, %broadcast_in_dim3A_138, %max3A_133 : vector<16xi1>, vector<16xi32>
      %lt3A_140 = arith.constant 1 : i32
      %lt3A_141 = vector.broadcast %lt3A_140 : i32 to vector<16xi32>
      %lt3A_142 = arith.cmpi slt, %iota3A, %lt3A_141 : vector<16xi32>
      %select_n3A_143 = arith.select %lt3A_142, %select_n3A_97, %select_n3A_139 : vector<16xi1>, vector<16xi32>
      %broadcast_in_dim3A_144 = arith.constant -1 : i32
      %broadcast_in_dim3A_145 = vector.broadcast %broadcast_in_dim3A_144 : i32 to vector<16xi32>
      %scan3A_146 = arith.constant 8 : i32
      %scan3A_147 = arith.constant 4 : i32
      %scan3A_148 = arith.addi %scan3A_146, %scan3A_147 : i32
      %scan3A_149 = arith.constant 1 : i32
      %scan3A_150 = scf.for %scan3A_250 = %scan3A_146 to %scan3A_148 step %scan3A_149 iter_args(%scan3A_251 = %broadcast_in_dim3A_145) -> (vector<16xi32>)  : i32 {
        %mul3A_252 = arith.constant 16 : i32
        %mul3A_253 = arith.muli %scan3A_250, %mul3A_252 : i32
        %get3A_254 = arith.index_cast %mul3A_253 : i32 to index
        %get3A_255 = tpu.vector_load %arg10[%get3A_254] {strides = array<i32>} : memref<256xi32, #tpu.memory_space<vmem>>, vector<16xi32>,
        %get3A_256 = vector.shape_cast %get3A_255 : vector<16xi32> to vector<16xi32>
        %max3A_257 = arith.maxsi %scan3A_251, %get3A_256 : vector<16xi32>
        scf.yield %max3A_257 : vector<16xi32>
      }
      %scan3A_151 = arith.constant 4 : i32
      %xor3A_152 = arith.constant 8 : i32
      %xor3A_153 = vector.broadcast %xor3A_152 : i32 to vector<16xi32>
      %xor3A_154 = arith.xori %iota3A, %xor3A_153 : vector<16xi32>
      %broadcast_in_dim3A_155 = vector.shape_cast %xor3A_154 : vector<16xi32> to vector<16x1xi32>
      %gather3A_156 = vector.shape_cast %broadcast_in_dim3A_155 : vector<16x1xi32> to vector<16xi32>
      %gather3A_157 = tpu.dynamic_gather %scan3A_150[%gather3A_156] in [0] : vector<16xi32>, vector<16xi32> -> vector<16xi32>
      %max3A_158 = arith.maxsi %scan3A_150, %gather3A_157 : vector<16xi32>
      %xor3A_159 = arith.constant 4 : i32
      %xor3A_160 = vector.broadcast %xor3A_159 : i32 to vector<16xi32>
      %xor3A_161 = arith.xori %iota3A, %xor3A_160 : vector<16xi32>
      %broadcast_in_dim3A_162 = vector.shape_cast %xor3A_161 : vector<16xi32> to vector<16x1xi32>
      %gather3A_163 = vector.shape_cast %broadcast_in_dim3A_162 : vector<16x1xi32> to vector<16xi32>
      %gather3A_164 = tpu.dynamic_gather %max3A_158[%gather3A_163] in [0] : vector<16xi32>, vector<16xi32> -> vector<16xi32>
      %max3A_165 = arith.maxsi %max3A_158, %gather3A_164 : vector<16xi32>
      %xor3A_166 = arith.constant 2 : i32
      %xor3A_167 = vector.broadcast %xor3A_166 : i32 to vector<16xi32>
      %xor3A_168 = arith.xori %iota3A, %xor3A_167 : vector<16xi32>
      %broadcast_in_dim3A_169 = vector.shape_cast %xor3A_168 : vector<16xi32> to vector<16x1xi32>
      %gather3A_170 = vector.shape_cast %broadcast_in_dim3A_169 : vector<16x1xi32> to vector<16xi32>
      %gather3A_171 = tpu.dynamic_gather %max3A_165[%gather3A_170] in [0] : vector<16xi32>, vector<16xi32> -> vector<16xi32>
      %max3A_172 = arith.maxsi %max3A_165, %gather3A_171 : vector<16xi32>
      %xor3A_173 = arith.constant 1 : i32
      %xor3A_174 = vector.broadcast %xor3A_173 : i32 to vector<16xi32>
      %xor3A_175 = arith.xori %iota3A, %xor3A_174 : vector<16xi32>
      %broadcast_in_dim3A_176 = vector.shape_cast %xor3A_175 : vector<16xi32> to vector<16x1xi32>
      %gather3A_177 = vector.shape_cast %broadcast_in_dim3A_176 : vector<16x1xi32> to vector<16xi32>
      %gather3A_178 = tpu.dynamic_gather %max3A_172[%gather3A_177] in [0] : vector<16xi32>, vector<16xi32> -> vector<16xi32>
      %max3A_179 = arith.maxsi %max3A_172, %gather3A_178 : vector<16xi32>
      %lt3A_180 = arith.constant 0 : i32
      %lt3A_181 = vector.broadcast %lt3A_180 : i32 to vector<16xi32>
      %lt3A_182 = arith.cmpi slt, %max3A_179, %lt3A_181 : vector<16xi32>
      %jit3A_183 = arith.constant 24575 : i32
      %broadcast_in_dim3A_184 = vector.broadcast %jit3A_183 : i32 to vector<16xi32>
      %select_n3A_185 = arith.select %lt3A_182, %broadcast_in_dim3A_184, %max3A_179 : vector<16xi1>, vector<16xi32>
      %lt3A_186 = arith.constant 2 : i32
      %lt3A_187 = vector.broadcast %lt3A_186 : i32 to vector<16xi32>
      %lt3A_188 = arith.cmpi slt, %iota3A, %lt3A_187 : vector<16xi32>
      %select_n3A_189 = arith.select %lt3A_188, %select_n3A_143, %select_n3A_185 : vector<16xi1>, vector<16xi32>
      %broadcast_in_dim3A_190 = arith.constant -1 : i32
      %broadcast_in_dim3A_191 = vector.broadcast %broadcast_in_dim3A_190 : i32 to vector<16xi32>
      %scan3A_192 = arith.constant 12 : i32
      %scan3A_193 = arith.constant 4 : i32
      %scan3A_194 = arith.addi %scan3A_192, %scan3A_193 : i32
      %scan3A_195 = arith.constant 1 : i32
      %scan3A_196 = scf.for %scan3A_250 = %scan3A_192 to %scan3A_194 step %scan3A_195 iter_args(%scan3A_251 = %broadcast_in_dim3A_191) -> (vector<16xi32>)  : i32 {
        %mul3A_252 = arith.constant 16 : i32
        %mul3A_253 = arith.muli %scan3A_250, %mul3A_252 : i32
        %get3A_254 = arith.index_cast %mul3A_253 : i32 to index
        %get3A_255 = tpu.vector_load %arg10[%get3A_254] {strides = array<i32>} : memref<256xi32, #tpu.memory_space<vmem>>, vector<16xi32>,
        %get3A_256 = vector.shape_cast %get3A_255 : vector<16xi32> to vector<16xi32>
        %max3A_257 = arith.maxsi %scan3A_251, %get3A_256 : vector<16xi32>
        scf.yield %max3A_257 : vector<16xi32>
      }
      %scan3A_197 = arith.constant 4 : i32
      %xor3A_198 = arith.constant 8 : i32
      %xor3A_199 = vector.broadcast %xor3A_198 : i32 to vector<16xi32>
      %xor3A_200 = arith.xori %iota3A, %xor3A_199 : vector<16xi32>
      %broadcast_in_dim3A_201 = vector.shape_cast %xor3A_200 : vector<16xi32> to vector<16x1xi32>
      %gather3A_202 = vector.shape_cast %broadcast_in_dim3A_201 : vector<16x1xi32> to vector<16xi32>
      %gather3A_203 = tpu.dynamic_gather %scan3A_196[%gather3A_202] in [0] : vector<16xi32>, vector<16xi32> -> vector<16xi32>
      %max3A_204 = arith.maxsi %scan3A_196, %gather3A_203 : vector<16xi32>
      %xor3A_205 = arith.constant 4 : i32
      %xor3A_206 = vector.broadcast %xor3A_205 : i32 to vector<16xi32>
      %xor3A_207 = arith.xori %iota3A, %xor3A_206 : vector<16xi32>
      %broadcast_in_dim3A_208 = vector.shape_cast %xor3A_207 : vector<16xi32> to vector<16x1xi32>
      %gather3A_209 = vector.shape_cast %broadcast_in_dim3A_208 : vector<16x1xi32> to vector<16xi32>
      %gather3A_210 = tpu.dynamic_gather %max3A_204[%gather3A_209] in [0] : vector<16xi32>, vector<16xi32> -> vector<16xi32>
      %max3A_211 = arith.maxsi %max3A_204, %gather3A_210 : vector<16xi32>
      %xor3A_212 = arith.constant 2 : i32
      %xor3A_213 = vector.broadcast %xor3A_212 : i32 to vector<16xi32>
      %xor3A_214 = arith.xori %iota3A, %xor3A_213 : vector<16xi32>
      %broadcast_in_dim3A_215 = vector.shape_cast %xor3A_214 : vector<16xi32> to vector<16x1xi32>
      %gather3A_216 = vector.shape_cast %broadcast_in_dim3A_215 : vector<16x1xi32> to vector<16xi32>
      %gather3A_217 = tpu.dynamic_gather %max3A_211[%gather3A_216] in [0] : vector<16xi32>, vector<16xi32> -> vector<16xi32>
      %max3A_218 = arith.maxsi %max3A_211, %gather3A_217 : vector<16xi32>
      %xor3A_219 = arith.constant 1 : i32
      %xor3A_220 = vector.broadcast %xor3A_219 : i32 to vector<16xi32>
      %xor3A_221 = arith.xori %iota3A, %xor3A_220 : vector<16xi32>
      %broadcast_in_dim3A_222 = vector.shape_cast %xor3A_221 : vector<16xi32> to vector<16x1xi32>
      %gather3A_223 = vector.shape_cast %broadcast_in_dim3A_222 : vector<16x1xi32> to vector<16xi32>
      %gather3A_224 = tpu.dynamic_gather %max3A_218[%gather3A_223] in [0] : vector<16xi32>, vector<16xi32> -> vector<16xi32>
      %max3A_225 = arith.maxsi %max3A_218, %gather3A_224 : vector<16xi32>
      %lt3A_226 = arith.constant 0 : i32
      %lt3A_227 = vector.broadcast %lt3A_226 : i32 to vector<16xi32>
      %lt3A_228 = arith.cmpi slt, %max3A_225, %lt3A_227 : vector<16xi32>
      %jit3A_229 = arith.constant 32767 : i32
      %broadcast_in_dim3A_230 = vector.broadcast %jit3A_229 : i32 to vector<16xi32>
      %select_n3A_231 = arith.select %lt3A_228, %broadcast_in_dim3A_230, %max3A_225 : vector<16xi1>, vector<16xi32>
      %lt3A_232 = arith.constant 3 : i32
      %lt3A_233 = vector.broadcast %lt3A_232 : i32 to vector<16xi32>
      %lt3A_234 = arith.cmpi slt, %iota3A, %lt3A_233 : vector<16xi32>
      %select_n3A_235 = arith.select %lt3A_234, %select_n3A_189, %select_n3A_231 : vector<16xi1>, vector<16xi32>
      %swap3A_236 = arith.constant 0 : index
      %swap3A_237 = tpu.vector_load %arg11[%swap3A_236] {strides = array<i32>} : memref<16xi32, #tpu.memory_space<vmem>>, vector<16xi32>,
      %swap3A_238 = vector.shape_cast %swap3A_237 : vector<16xi32> to vector<16xi32>
      %swap3A_239 = vector.shape_cast %select_n3A_235 : vector<16xi32> to vector<16xi32>
      tpu.vector_store %arg11[%swap3A_236], %swap3A_239 {strides = array<i32>} : memref<16xi32, #tpu.memory_space<vmem>>, vector<16xi32>,
      %dma_start3A_240 = arith.constant 0 : i32
      %dma_start3A_241 = tpu.memref_slice %arg11[%dma_start3A_240] : memref<16xi32, #tpu.memory_space<vmem>> -> memref<4xi32, #tpu.memory_space<vmem>>
      %dma_start3A_242 = arith.constant 0 : i32
      %dma_start3A_243 = arith.constant 0 : i32
      %dma_start3A_244 = tpu.memref_slice %arg4[%dma_start3A_242, %dma_start3A_243] : memref<32768x2048xf32, #tpu.memory_space<hbm>> -> memref<32768x2048xf32, #tpu.memory_space<hbm>>
      tpu.enqueue_indirect_dma source(%dma_start3A_244 : memref<32768x2048xf32, #tpu.memory_space<hbm>>) target(%arg12 : memref<4x2048xf32, #tpu.memory_space<vmem>>) offsets(%dma_start3A_241 : memref<4xi32, #tpu.memory_space<vmem>>) semaphore(%arg13 : memref<!tpu.dma_semaphore, #tpu.memory_space<semaphore_mem>>)
      %dma_wait3A_245 = arith.constant 0 : i32
      %dma_wait3A_246 = tpu.memref_slice %arg11[%dma_wait3A_245] : memref<16xi32, #tpu.memory_space<vmem>> -> memref<4xi32, #tpu.memory_space<vmem>>
      %dma_wait3A_247 = arith.constant 0 : i32
      %dma_wait3A_248 = arith.constant 0 : i32
      %dma_wait3A_249 = tpu.memref_slice %arg4[%dma_wait3A_247, %dma_wait3A_248] : memref<32768x2048xf32, #tpu.memory_space<hbm>> -> memref<32768x2048xf32, #tpu.memory_space<hbm>>
      tpu.wait_indirect_dma semaphore(%arg13 : memref<!tpu.dma_semaphore, #tpu.memory_space<semaphore_mem>>) src(%dma_wait3A_249 : memref<32768x2048xf32, #tpu.memory_space<hbm>>) dst(%arg12 : memref<4x2048xf32, #tpu.memory_space<vmem>>)
      "tpu.region"() ({
        %run_scoped3A = tpu.sem_alloc : memref<!tpu.dma_semaphore, #tpu.memory_space<semaphore_mem>>
        tpu.enqueue_dma source(%arg12 : memref<4x2048xf32, #tpu.memory_space<vmem>>) target(%arg5 : memref<4x2048xf32, #tpu.memory_space<hbm>>) target_semaphore(%run_scoped3A : memref<!tpu.dma_semaphore, #tpu.memory_space<semaphore_mem>>)
        tpu.wait_dma2 semaphore(%run_scoped3A : memref<!tpu.dma_semaphore, #tpu.memory_space<semaphore_mem>>) src(%arg12 : memref<4x2048xf32, #tpu.memory_space<vmem>>) dst(%arg5 : memref<4x2048xf32, #tpu.memory_space<hbm>>)
        tpu.yield
      }) : () -> ()
    } else {
    }
    return
  }
}

</mosaic_0001>

<sc_bundles>
// kernel: kernel.3.cloned.1.call-start
scs
__scs_entry_jumppad:
0x0: {  	(pc) =	sbr.rel $0x88, $3  }
0x1: {  	(tag) =	ssettag $0x0;
	lr =	simm.s32 $0x1  }
0x2: {  	[smem:$0x3F9E] =	sst lr;
	_ =	strace $0xD0000000  }
0x3: {  	_ = 	snop  }
0x4: {  	_ = 	snop  }
0x5: {  	_ = 	snop  }
0x6: {  	_ = 	snop  }
0x7: {  	_ = 	snop  }
__scs_overlays_trampoline_lowered:
0x8: {  	[smem:$0x3FAD] =	sst s0  }
0x9: {  	[smem:$0x3FAE] =	sst s1  }
0xa: {  	[smem:$0x3FAF] =	sst s2  }
0xb: {  	[smem:$0x3FB0] =	sst s3  }
0xc: {  	[smem:$0x3FB1] =	sst s4  }
0xd: {  	[smem:$0x3FB2] =	sst s5  }
0xe: {  	[smem:$0x3FB3] =	sst s6  }
0xf: {  	[smem:$0x3FB4] =	sst s7  }
0x10: {  	[smem:$0x3FB5] =	sst s8  }
0x11: {  	[smem:$0x3FB6] =	sst s9;
	s0 =	simm.s32 @!p0 $0x0  }
0x12: {  	s1 =	sld [smem:$0x3F9C];
	s0 =	simm.s32 @p0 $0x1  }
0x13: {  	[smem:$0x3FB7] =	sst s0;
	s0 =	simm.s32 @!p1 $0x0  }
0x14: {  	s2 =	sld [smem:$0x3F9B];
	s0 =	simm.s32 @p1 $0x1  }
0x15: {  	[smem:$0x3FB8] =	sst s0;
	s0 =	simm.s32 @!p2 $0x0  }
0x16: {  	s3 =	sld [smem:$0x3FDB];
	s0 =	simm.s32 @p2 $0x1  }
0x17: {  	s4 =	simm.s32 $0x1BF5;
	[smem:$0x3FBA] =	sst s0  }
0x18: {  	s0 =	sld [smem:$0x3F9D];
	_ =	swait.ge [sflag:s4], $0x0  }
0x19: {  	s7 =	sld [smem:$0x3F9E]  }
0x1a: {  	s8 =	sadd.s32 $0xFFFFE003, lr  }
0x1b: {  	s9 =	sadd.s32 $0xFFFFFEF7, lr;
	s5 =	simm.s32 $0xFFFFFFFF;
	p2 =	slt.u32 s8, $0xFFFFF086  }
0x1c: {  	p1 =	slt.u32 s9, $0xF7A;
	s5 =	simm.s32 @!p2 $0x0  }
0x1d: {  	s5 =	simm.s32 @p1 $0x1;
	p0 =	seq.s32 s7, s2  }
0x1e: {  	s7 =	smul.u32 @!p0 $0xF7A, s2;
	p2 =	seq.s32 @!p0 s5, $0x0  }
0x1f: {  	s9 =	smul.u32 $0xF7A, s1;
	s8 =	simm.s32 @!p0 $0x1BF5;
	p2 =	por !p2, p0  }
0x20: {  	[sflag:s8] =	ssyncset.s32 @!p0 $0xFFFFF086;
	s6 =	sadd.s32 @!p0 s3, s7;
	s7 =	simm.s32 @!p0 $0x108  }
0x21: {  	s3 =	sadd.s32 s3, s9;
	s6 =	sadd.s32 @!p0 $0x88, s6;
	s7 =	simm.s32 @p2 $0x1082  }
0x22: {  	[simem:s7], [sflag:s8] =	dma.local @!p0 [hbm:s6], $0xF7A  }
0x23: {  	s9 =	sor.u32 $0xD0000000, s2;
	s6 =	simm.s32 $0x108;
	_ =	swait.ge @!p0 [sflag:s8], $0x0  }
0x24: {  	s3 =	sadd.s32 $0x88, s3;
	s6 =	simm.s32 @!p1 $0x1082;
	[sflag:s4] =	ssyncset.s32 $0xFFFFF086  }
0x25: {  	[simem:s6], [sflag:s4] =	dma.local [hbm:s3], $0xF7A  }
0x26: {  	[smem:$0x3F9E] =	sst s1;
	(tag) =	ssettag s2;
	_ =	strace s9  }
0x27: {  	s1 =	sld [smem:$0x3FAE]  }
0x28: {  	s2 =	sld [smem:$0x3FAF]  }
0x29: {  	s4 =	sld [smem:$0x3FB1]  }
0x2a: {  	p0 =	seq.s32 s5, $0x0;
	s5 =	sld [smem:$0x3FB2]  }
0x2b: {  	s6 =	sld [smem:$0x3FB3]  }
0x2c: {  	s7 =	sld [smem:$0x3FB4]  }
0x2d: {  	s3 =	simm.s32 $0x108;
	s8 =	sld [smem:$0x3FB5]  }
0x2e: {  	s3 =	simm.s32 @!p0 $0x1082;
	s9 =	sld [smem:$0x3FB6]  }
0x2f: {  	lr =	sadd.s32 s0, s3;
	s0 =	sld [smem:$0x3FAD]  }
0x30: {  	s3 =	sld [smem:$0x3FB0]  }
0x31: {  	[smem:$0x3FB9] =	sst s10  }
0x32: {  	s10 =	sld [smem:$0x3FB7];
	_ =	sdelay $0x3  }
0x33: {  	p0 =	seq.s32 s10, $0x1;
	s10 =	sld [smem:$0x3FB9];
	_ =	sdelay $0x3  }
0x34: {  	[smem:$0x3FB9] =	sst s10  }
0x35: {  	s10 =	sld [smem:$0x3FB8];
	_ =	sdelay $0x3  }
0x36: {  	p1 =	seq.s32 s10, $0x1;
	s10 =	sld [smem:$0x3FB9];
	_ =	sdelay $0x3  }
0x37: {  	[smem:$0x3FB9] =	sst s10  }
0x38: {  	s10 =	sld [smem:$0x3FBA]  }
0x39: {  	_ = 	snop;
	(pc) =	sbr.ind lr, $3  }
0x3a: {  	_ = 	snop  }
0x3b: {  	_ = 	snop  }
0x3c: {  	p2 =	seq.s32 s10, $0x1;
	s10 =	sld [smem:$0x3FB9]  }
0x3d: {  	_ =	shalt  }
0x3e: {  	_ =	shalt  }
0x3f: {  	_ =	shalt  }
0x40: {  	_ =	shalt  }
0x41: {  	_ =	shalt  }
0x42: {  	_ =	shalt  }
0x43: {  	_ =	shalt  }
0x44: {  	_ =	shalt  }
0x45: {  	_ =	shalt  }
0x46: {  	_ =	shalt  }
0x47: {  	_ =	shalt  }
0x48: {  	_ =	shalt  }
0x49: {  	_ =	shalt  }
0x4a: {  	_ =	shalt  }
0x4b: {  	_ =	shalt  }
0x4c: {  	_ =	shalt  }
0x4d: {  	_ =	shalt  }
0x4e: {  	_ =	shalt  }
0x4f: {  	_ =	shalt  }
0x50: {  	_ =	shalt  }
0x51: {  	_ =	shalt  }
0x52: {  	_ =	shalt  }
0x53: {  	_ =	shalt  }
0x54: {  	_ =	shalt  }
0x55: {  	_ =	shalt  }
0x56: {  	_ =	shalt  }
0x57: {  	_ =	shalt  }
0x58: {  	_ =	shalt  }
0x59: {  	_ =	shalt  }
0x5a: {  	_ =	shalt  }
0x5b: {  	_ =	shalt  }
0x5c: {  	_ =	shalt  }
0x5d: {  	_ =	shalt  }
0x5e: {  	_ =	shalt  }
0x5f: {  	_ =	shalt  }
0x60: {  	_ =	shalt  }
0x61: {  	_ =	shalt  }
0x62: {  	_ =	shalt  }
0x63: {  	_ =	shalt  }
0x64: {  	_ =	shalt  }
0x65: {  	_ =	shalt  }
0x66: {  	_ =	shalt  }
0x67: {  	_ =	shalt  }
0x68: {  	_ =	shalt  }
0x69: {  	_ =	shalt  }
0x6a: {  	_ =	shalt  }
0x6b: {  	_ =	shalt  }
0x6c: {  	_ =	shalt  }
0x6d: {  	_ =	shalt  }
0x6e: {  	_ =	shalt  }
0x6f: {  	_ =	shalt  }
0x70: {  	_ =	shalt  }
0x71: {  	_ =	shalt  }
0x72: {  	_ =	shalt  }
0x73: {  	_ =	shalt  }
0x74: {  	_ =	shalt  }
0x75: {  	_ =	shalt  }
0x76: {  	_ =	shalt  }
0x77: {  	_ =	shalt  }
0x78: {  	_ =	shalt  }
0x79: {  	_ =	shalt  }
0x7a: {  	_ =	shalt  }
0x7b: {  	_ =	shalt  }
0x7c: {  	_ =	shalt  }
0x7d: {  	_ =	shalt  }
0x7e: {  	_ =	shalt  }
0x7f: {  	_ =	shalt  }
0x80: {  	_ =	shalt  }
0x81: {  	_ =	shalt  }
0x82: {  	_ =	shalt  }
0x83: {  	_ =	shalt  }
0x84: {  	_ =	shalt  }
0x85: {  	_ =	shalt  }
0x86: {  	_ =	shalt  }
0x87: {  	_ =	shalt  }
.Lfunc_end0:
.L_simem_size_0:
called_computation_lowered:
.L_overlay_start_0:
0x88: {  	s0 =	sld [smem:$0x3FD9]  }
0x89: {  	s1 =	sld [smem:$0x3FFE];
	_ =	sdelay $0x3  }
0x8a: {  	s0 =	sadd.s32 s1, s0  }
0x8b: {  	[smem:$0x3FC5] =	sst s0  }
0x8c: {  	_ = 	snop  }
0x8d: {  	s0 =	sld [smem:$0x3FC9]  }
0x8e: {  	s16 =	sld [smem:$0x3FC8]  }
0x8f: {  	s2 =	sld [smem:$0x3FD0];
	(tm) =	ssettm $0x1  }
0x90: {  	s3 =	sld [smem:$0x3FFB];
	_ =	sdelay $0x3  }
0x91: {  	_ =	strace s3  }
0x92: {  	s3 =	sld [smem:$0x3FFC];
	_ =	sdelay $0x3  }
0x93: {  	_ =	strace s3  }
0x94: {  	s3 =	sld [smem:$0x3FFD];
	_ =	sdelay $0x3  }
0x95: {  	_ =	strace s3  }
0x96: {  	_ =	strace $0x8FFFFFFF  }
0x97: {  	s17 =	sld [smem:$0x3FDB];
	_ =	sdelay $0x1  }
0x98: {  	s4 =	simm.s32 $_scs_section_size  }
0x99: {  	s5 =	simm.s32 $_size__tile_overlayer_lowered;
	s6 =	simm.s32 $_tile_overlayer_lowered  }
0x9a: {  	s20 =	simm.s32 $0x1BFF;
	s19 =	sshll.u32 s6, $0x1;
	s3 =	sadd.s32 s4, s17  }
0x9b: {  	s7 =	simm.s32 $0x0;
	s18 =	sshll.u32 s5, $0x1;
	s5 =	sadd.s32 s19, s3  }
0x9c: {  	[timem:s7], [sflag:s20] =	dma.local [hbm:s5], s18  }
0x9d: {  	_ =	swait.ge [sflag:s20], s18  }
0x9e: {  	s4 =	ssub.s32 $0x0, s18;
	[sflag:s20] =	ssyncset.done $0x0  }
0x9f: {  	[sflag:s20] =	ssyncadd.s32 s4;
	_ =	sdelay $0x1  }
0xa0: {  	s21 =	simm.s32 $0x1B8B  }
0xa1: {  	_ =	swait.ge [sflag:s21], $0x1  }
0xa2: {  	[sflag:s21] =	ssyncset.done $0x0  }
0xa3: {  	s23 =	simm.s32 $0x1B8E;
	s22 =	sld [smem:$0x3FFE];
	[sflag:s21] =	ssyncadd.s32 $0xFFFFFFFF  }
0xa4: {  	s24 =	simm.s32 $execute0_lowered;
	[smem:$0x3FD2] =	sst s23  }
0xa5: {  	s5 =	sshll.u32 s24, $0x1;
	_ =	strace $0x80000046;
	[dreg:$0x1] =	wrdreg $0xFFFFFFFF  }
0xa6: {  	s25 =	simm.s32 $_size_execute0_lowered;
	s3 =	sadd.s32 s3, s5;
	[dreg:$0x0] =	wrdreg $0x0  }
0xa7: {  	s5 =	sshll.u32 s25, $0x1;
	[dreg:$0x2] =	wrdreg s3  }
0xa8: {  	[dreg:$0x3] =	wrdreg s5  }
0xa9: {  	[dreg:$0x4] =	wrdreg $0xC0  }
0xaa: {  	_ =	task [dreg:s7], $0x5FFFF  }
0xab: {  	[dreg:$0x1] =	wrdreg $0xFFFFFFFF  }
0xac: {  	[dreg:$0x0] =	wrdreg $0x60  }
0xad: {  	[dreg:$0x2] =	wrdreg s16  }
0xae: {  	[dreg:$0x3] =	wrdreg s22  }
0xaf: {  	[dreg:$0x4] =	wrdreg s0  }
0xb0: {  	[dreg:$0x5] =	wrdreg s2  }
0xb1: {  	[dreg:$0x6] =	wrdreg $0x9000  }
0xb2: {  	[dreg:$0x7] =	wrdreg $0x9  }
0xb3: {  	_ =	task.clear_ibuf [dreg:s7], $0x8FFFF;
	_ =	strace $0x90000046  }
0xb4: {  	s26 =	simm.s32 $0x9;
	_ =	strace $0x80000048  }
0xb5: {  	_ =	swait.ge [sflag:s26], $0x1  }
0xb6: {  	[sflag:s26] =	ssyncadd.s32 $0xFFFFFFFF  }
0xb7: {  	_ =	strace $0x90000048  }
0xb8: {  	_ =	sfence  }
0xb9: {  	s28 =	sld [smem:$0x0];
	_ =	sdelay $0x1  }
0xba: {  	s29 =	srdreg.scid  }
0xbb: {  	s30 =	sshll.u32 s29, $0xD;
	s31 =	sshrl.u32 s29, $0x2  }
0xbc: {  	s1 =	sand.u32 $0x1, s29;
	s2 =	sand.u32 $0x4000, s30;
	s0 =	sadd.s32 s31, s28  }
0xbd: {  	s1 =	sor.u32 s2, s1;
	s0 =	sshll.u32 s0, $0x11  }
0xbe: {  	s0 =	sor.u32 s0, s1  }
0xbf: {  	s0 =	sadd.s32 $0x8F2B, s0  }
0xc0: {  	[sflag:s0] =	ssyncadd.remote.s32 $0x1  }
0xc1: {  	_ =	sfence.sel $0xFFFF  }
0xc2: {  	[dreg:$0x0] =	wrdreg $0xFFFFFFFF;
	(pc) =	sbr.abs _section_cstart, $3  }
0xc3: {  	[dreg:$0x1] =	wrdreg $0xFFFFFFFF  }
0xc4: {  	_ =	task.clear_ibuf [dreg:s7], $0x2FFFF;
	_ =	strace $0x9FFFFFFF  }
0xc5: {  	(tm) =	ssettm $0x7FFFFFFF  }
tec
execute0_lowered:
.L_overlay_start_1:
0x0: {  	(tag) =	ssettag $0x1  }
0x1: {  	s3 =	rddreg [dreg:$0x0]  }
0x2: {  	s6 =	rddreg [dreg:$0x1]  }
0x3: {  	s2 =	rddreg [dreg:$0x2]  }
0x4: {  	s1 =	rddreg [dreg:$0x3]  }
0x5: {  	s4 =	rddreg [dreg:$0x4]  }
0x6: {  	s0 =	rddreg [dreg:$0x5]  }
0x7: {  	s7 =	simm.s32 $0x0;
	s5 =	stileid.u32;
	s22 =	simm.s32 $0x800  }
0x8: {  	s23 =	simm.s32 $0x80;
	[smem:$0x7FF] =	sst s7;
	s8 =	sshrl.u32 s5, $0x2  }
0x9: {  	s6 =	sadd.s32 $0x400, s6;
	s9 =	sand.u32 $0x3, s5;
	s10 =	sshll.u32 s8, $0x4  }
0xa: {  	_ =	strace $0x80000047;
	s11 =	sshll.u32 s9, $0xA;
	s3 =	sadd.s32 s3, s10  }
0xb: {  	[tilespmem:s22], [sflag:$0x1] =	stream.linear.gather [hbm4b:s6+s7], $0x80, $0x38;
	[tilespmem:$0x2A90] =	vst v63  }
0xc: {  	s24 =	simm.s32 $0x200;
	s25 =	simm.s32 $0x1;
	s3 =	sadd.s32 s11, s3  }
0xd: {  	[tilespmem:s7], [sflag:$0x2] =	stream.strided.gather [hbm4b:s3+s23], $0x800, s24, s23, $0x38;
	[tilespmem:$0x2A90] =	vst v63  }
0xe: {  	_ =	swait.ge [sflag:s25], $0x80  }
0xf: {  	[sflag:s25] =	ssyncset.done $0x0  }
0x10: {  	s26 =	simm.s32 $0x2;
	[sflag:s25] =	ssyncadd.s32 $0xFFFFFF80  }
0x11: {  	_ =	swait.ge [sflag:s26], $0x800  }
0x12: {  	[sflag:s26] =	ssyncset.done $0x0  }
0x13: {  	[sflag:s26] =	ssyncadd.s32 $0xFFFFF800  }
0x14: {  	s28 =	simm.s32 $0x20;
	v0 =	vld [tilespmem:$0x800]  }
0x15: {  	v2 =	vld [tilespmem:s28+$0xFFFFFFE0]  }
0x16: {  	v3 =	vld [tilespmem:s28+$0xFFFFFFF0]  }
0x17: {  	v4 =	vld [tilespmem:s28+$0x0]  }
0x18: {  	s29 =	sshll.u32 s9, $0xB;
	s30 =	sshll.u32 s8, $0xD;
	v7 =	vld [tilespmem:s28+$0x10]  }
0x19: {  	v1 =	vlaneseq.u32;
	s31 =	sor.u32 s29, s30  }
0x1a: {  	v5 =	vimm.s32 $0xFFFFFFFF;
	v1 =	vor.u32 s31, v1;
	s3 =	simm.s32 $0x60;
	vm0 =	veq.s32 v2, v0  }
0x1b: {  	v6 =	vadd.s32 $0x10, v1;
	v2 =	vld [tilespmem:s3+$0xFFFFFFE0];
	v5 =	vsel vm0, v1, v5;
	vm0 =	veq.s32 v3, v0  }
0x1c: {  	v3 =	vld [tilespmem:s3+$0xFFFFFFF0];
	v5 =	vsel vm0, v6, v5;
	v6 =	vadd.s32 $0x20, v1;
	vm0 =	veq.s32 v4, v0  }
0x1d: {  	s6 =	simm.s32 $0x4;
	v4 =	vld [tilespmem:s3+$0x0];
	v5 =	vsel vm0, v6, v5;
	v6 =	vadd.s32 $0x30, v1;
	vm0 =	veq.s32 v7, v0  }
.LBB2_1:
0x1e: {  	s6 =	sadd.s32 $0x4, s6  }
0x1f: {  	v7 =	vld [tilespmem:s3+$0x10];
	v5 =	vsel vm0, v6, v5;
	v1 =	vadd.s32 $0x40, v1;
	p0 =	slt.u32 s6, $0x7C  }
.Ltmp0:
0x20: {  	(pc) =	sbr.rel @p0 .LBB2_1-.Ltmp0, $4  }
0x21: {  	s3 =	sadd.s32 $0x40, s3;
	vm0 =	veq.s32 v2, v0  }
0x22: {  	v6 =	vadd.s32 $0x10, v1;
	v2 =	vld [tilespmem:s3+$0xFFFFFFE0];
	v5 =	vsel vm0, v1, v5;
	vm0 =	veq.s32 v3, v0  }
0x23: {  	v3 =	vld [tilespmem:s3+$0xFFFFFFF0];
	v5 =	vsel vm0, v6, v5;
	v6 =	vadd.s32 $0x20, v1;
	vm0 =	veq.s32 v4, v0  }
0x24: {  	v4 =	vld [tilespmem:s3+$0x0];
	v5 =	vsel vm0, v6, v5;
	v6 =	vadd.s32 $0x30, v1;
	vm0 =	veq.s32 v7, v0  }
0x25: {  	v7 =	vld [tilespmem:s3+$0x10];
	_ =	sdelay $0x1  }
0x26: {  	v5 =	vsel vm0, v6, v5;
	v1 =	vadd.s32 $0x40, v1;
	vm12 =	veq.s32 v2, v0  }
0x27: {  	v62 =	vadd.s32 $0x10, v1;
	v2 =	vsel vm12, v1, v5;
	vm13 =	veq.s32 v3, v0  }
0x28: {  	v63 =	vadd.s32 $0x20, v1;
	v2 =	vsel vm13, v62, v2;
	vm14 =	veq.s32 v4, v0  }
0x29: {  	v1 =	vadd.s32 $0x30, v1;
	v2 =	vsel vm14, v63, v2;
	vm15 =	veq.s32 v7, v0  }
0x2a: {  	s31 =	sshll.u32 s5, $0x4;
	v0 =	vsel vm15, v1, v2  }
0x2b: {  	s6 =	simm.s32 $0x880;
	s3 =	sadd.s32 s31, s4;
	[tilespmem:$0x880] =	vst v0  }
0x2c: {  	[spmem:s3] =	stream.linear.scatter [tilespmem:s6], [sflag:$0x3], $0x10, $0x38;
	[tilespmem:$0x2A90] =	vst v63  }
0x2d: {  	s3 =	simm.s32 $0x3  }
0x2e: {  	_ =	swait.ge [sflag:s3], $0x10  }
0x2f: {  	[sflag:s3] =	ssyncset.done $0x0  }
0x30: {  	[sflag:s3] =	ssyncadd.s32 $0xFFFFFFF0  }
0x31: {  	p0 =	sne.s32 s5, $0x0;
	[bflag:$0x0] =	sbarrier.arrive $0xFFFF  }
0x32: {  	_ =	sfence.sel @p0 $0x180000  }
0x33: {  	[bflag:$0x0] =	sbarrier.arrive @p0 $0xFFFF  }
0x34: {  	_ =	strace @p0 $0x90000047  }
0x35: {  	[bflag:$0x2] =	sbarrier.arrive @p0 $0xFFFF  }
0x36: {  	_ =	shalt @p0  }
.LBB2_3:
0x37: {  	s5 =	simm.s32 $0x910  }
0x38: {  	[tilespmem:s5], [sflag:$0x3] =	stream.linear.gather [spmem:s4], $0x100, $0x38;
	[tilespmem:$0x2A90] =	vst v63  }
0x39: {  	_ =	swait.ge [sflag:s3], $0x100  }
0x3a: {  	[sflag:s3] =	ssyncset.done $0x0  }
0x3b: {  	[sflag:s3] =	ssyncadd.s32 $0xFFFFFF00  }
0x3c: {  	v0 =	vld [tilespmem:$0x910]  }
0x3d: {  	v1 =	vld [tilespmem:$0x920]  }
0x3e: {  	v37 =	vimm.s32 $0xFEDCBA98;
	v2 =	vld [tilespmem:$0x930]  }
0x3f: {  	v10 =	vimm.s32 $0xDCFE98BA;
	v11 =	vimm.s32 $0x54761032;
	v3 =	vld [tilespmem:$0x940]  }
0x40: {  	v38 =	vimm.s32 $0x76543210;
	v10 =	vunpack.c.l.s4.s8 v10;
	v11 =	vunpack.c.l.s4.s8 v11;
	v40 =	vld [tilespmem:$0x950]  }
0x41: {  	v39 =	vimm.s32 $0xBA98FEDC;
	v4 =	vimm.s32 $0x32107654;
	v41 =	vld [tilespmem:$0x960]  }
0x42: {  	v51 =	vimm.s32 $0xEFCDAB89;
	v10 =	vunpack.c.0.s8.s32 v10;
	v11 =	vunpack.c.0.s8.s32 v11;
	v43 =	vld [tilespmem:$0x990]  }
0x43: {  	v52 =	vimm.s32 $0x67452301;
	v4 =	vunpack.c.l.s4.s8 v4;
	v9 =	vld [tilespmem:$0x9A0];
	vm0 =	vgt.s32 v0, v1  }
0x44: {  	v44 =	vld [tilespmem:$0x9D0];
	v47 =	vcombine.low v11, v10;
	v11 =	vunpack.c.l.s4.s8 v52;
	v0 =	vsel vm0, v0, v1  }
0x45: {  	v4 =	vunpack.c.0.s8.s32 v4;
	v12 =	vld [tilespmem:$0x9E0];
	v1 =	vunpack.c.l.s4.s8 v37;
	vm0 =	vgt.s32 v0, v2  }
0x46: {  	v42 =	vld [tilespmem:$0x970];
	v11 =	vunpack.c.0.s8.s32 v11;
	v0 =	vsel vm0, v0, v2;
	v2 =	vunpack.c.l.s4.s8 v38  }
0x47: {  	v13 =	vld [tilespmem:$0x9F0];
	vm13 =	vgt.s32 v40, v41;
	v1 =	vunpack.c.0.s8.s32 v1;
	vm0 =	vgt.s32 v0, v3  }
0x48: {  	v7 =	vld [tilespmem:$0x980];
	vm14 =	vgt.s32 v43, v9;
	v0 =	vsel vm0, v0, v3;
	v2 =	vunpack.c.0.s8.s32 v2  }
0x49: {  	v49 =	vld [tilespmem:$0xA00];
	v1 =	vand.u32 $0xF, v1;
	v3 =	vunpack.c.l.s4.s8 v39;
	v5 =	vshra.s32 v0, $0x1F  }
0x4a: {  	vm15 =	vgt.s32 v44, v12;
	v1 =	vcombine.low v1, v2;
	v0 =	vor.u32 v5, v0  }
0x4b: {  	v45 =	vld [tilespmem:$0x9B0];
	v3 =	vunpack.c.0.s8.s32 v3;
	v2 =	vsel vm13, v40, v41;
	v5 =	vsel vm15, v44, v12  }
0x4c: {  	vm0 =	vgt.s32 v2, v42;
	vm5 =	vgt.s32 v5, v13;
	v6 =	vperm.xlane v0, v1  }
0x4d: {  	v46 =	vld [tilespmem:$0x9C0];
	v3 =	vcombine.low v4, v3;
	v2 =	vsel vm0, v2, v42;
	v5 =	vsel vm5, v5, v13  }
0x4e: {  	vm0 =	vgt.s32 v2, v7;
	vm7 =	vgt.s32 v5, v49;
	vm12 =	vgt.s32 v0, v6  }
0x4f: {  	v3 =	vand.u32 $0xF, v3;
	v0 =	vsel vm12, v0, v6;
	v6 =	vsel vm14, v43, v9  }
0x50: {  	v2 =	vsel vm0, v2, v7;
	v5 =	vsel vm7, v5, v49;
	vm4 =	vgt.s32 v6, v45  }
0x51: {  	v48 =	vshra.s32 v2, $0x1F;
	v53 =	vshra.s32 v5, $0x1F;
	v4 =	vsel vm4, v6, v45  }
0x52: {  	v8 =	vperm.xlane v0, v3;
	v2 =	vor.u32 v48, v2;
	vm6 =	vgt.s32 v4, v46  }
0x53: {  	v5 =	vor.u32 v53, v5;
	v10 =	vperm.xlane v2, v1;
	v4 =	vsel vm6, v4, v46  }
0x54: {  	v6 =	vunpack.c.l.s4.s8 v51;
	vm1 =	vgt.s32 v0, v8;
	v7 =	vshra.s32 v4, $0x1F  }
0x55: {  	v0 =	vsel vm1, v0, v8;
	v8 =	vand.u32 $0xF, v47;
	v4 =	vor.u32 v7, v4  }
0x56: {  	vm8 =	vgt.s32 v2, v10;
	v6 =	vunpack.c.0.s8.s32 v6;
	v7 =	vperm.xlane v4, v1  }
0x57: {  	v50 =	vperm.xlane v0, v8;
	v2 =	vsel vm8, v2, v10;
	v1 =	vperm.xlane v5, v1  }
0x58: {  	v54 =	vperm.xlane v2, v3;
	v6 =	vcombine.low v11, v6;
	vm9 =	vgt.s32 v4, v7  }
0x59: {  	vm1 =	vgt.s32 v0, v50;
	vm11 =	vgt.s32 v5, v1;
	v4 =	vsel vm9, v4, v7  }
0x5a: {  	vm10 =	vgt.s32 v2, v54;
	v1 =	vsel vm11, v5, v1;
	v7 =	vperm.xlane v4, v3  }
0x5b: {  	v0 =	vsel vm1, v0, v50;
	v6 =	vand.u32 $0xF, v6;
	v3 =	vperm.xlane v1, v3  }
0x5c: {  	v2 =	vsel vm10, v2, v54;
	v9 =	vperm.xlane v0, v6;
	vm12 =	vgt.s32 v4, v7  }
0x5d: {  	v55 =	vperm.xlane v2, v8;
	vm14 =	vgt.s32 v1, v3;
	v4 =	vsel vm12, v4, v7  }
0x5e: {  	vm9 =	vmmov $0x1;
	v1 =	vsel vm14, v1, v3;
	v7 =	vperm.xlane v4, v8  }
0x5f: {  	vm4 =	vgt.s32 v0, v9;
	vm13 =	vgt.s32 v2, v55;
	v57 =	vperm.xlane v1, v8  }
0x60: {  	v0 =	vsel vm4, v0, v9;
	v2 =	vsel vm13, v2, v55;
	vm15 =	vgt.s32 v4, v7  }
0x61: {  	v56 =	vperm.xlane v2, v6;
	vm1 =	vgt.s32 v1, v57;
	v4 =	vsel vm15, v4, v7  }
0x62: {  	vm6 =	vlt.s32 v0, $0x0;
	v1 =	vsel vm1, v1, v57;
	v7 =	vperm.xlane v4, v6  }
0x63: {  	v0 =	vsel vm6, $0x1FFF, v0;
	vm5 =	vgt.s32 v2, v56;
	v58 =	vperm.xlane v1, v6  }
0x64: {  	vm12 =	vmmov $0x3;
	v2 =	vsel vm5, v2, v56;
	vm8 =	vgt.s32 v4, v7  }
0x65: {  	vm7 =	vlt.s32 v2, $0x0;
	vm10 =	vgt.s32 v1, v58;
	v4 =	vsel vm8, v4, v7  }
0x66: {  	v2 =	vsel vm7, $0x3FFF, v2;
	v1 =	vsel vm10, v1, v58;
	vm11 =	vlt.s32 v4, $0x0  }
0x67: {  	v0 =	vsel vm9, v0, v2;
	vm13 =	vlt.s32 v1, $0x0;
	v59 =	vsel vm11, $0x5FFF, v4  }
0x68: {  	vm14 =	vmmov $0x7;
	v1 =	vsel vm13, $0x7FFF, v1;
	v0 =	vsel vm12, v0, v59  }
0x69: {  	v0 =	vsel vm14, v0, v1  }
0x6a: {  	[tilespmem:$0xA10] =	vst v0  }
0x6b: {  	v0 =	vld.msk [tilespmem:$0xA10], $0xf;
	_ =	sdelay $0x4  }
0x6c: {  	v60 =	vshll.u32 v0, $0x4  }
0x6d: {  	v61 =	vlaneseq.u32;
	v0 =	vand.u32 $0x7, v0;
	v1 =	vand.u32 $0xFFFFFF80, v60  }
0x6e: {  	v62 =	vand.u32 $0x3, v61;
	v2 =	vshrl.u32 v61, $0x2;
	v0 =	vor.u32 v0, v1  }
0x6f: {  	v63 =	vmul.u32 $0x8, v2;
	v0 =	vperm.xlane v0, v62;
	_ =	sdelay $0x1  }
0x70: {  	v0 =	vadd.s32 v63, v0;
	_ =	sdelay $0x3  }
0x71: {  	s24 =	simm.s32 $0x0;
	s25 =	simm.s32 $0xA90;
	vm15 =	vmmov $0xffff  }
0x72: {  	[tilespmem:s25], [sflag:$0x1] =	stream.indirect_vreg.gather [hbm4b:s2+s24], $0x80, v0, vm15, $0xb8;
	[tilespmem:$0x2A90] =	vst v63  }
0x73: {  	s6 =	sadd.s32 $0x200, s2;
	s7 =	simm.s32 $0x1290  }
0x74: {  	[tilespmem:s7], [sflag:$0x1] =	stream.indirect_vreg.gather [hbm4b:s6+s24], $0x80, v0, vm15, $0xb8;
	[tilespmem:$0x2A90] =	vst v63  }
0x75: {  	s26 =	sadd.s32 $0x400, s2;
	s28 =	simm.s32 $0x1A90  }
0x76: {  	[tilespmem:s28], [sflag:$0x1] =	stream.indirect_vreg.gather [hbm4b:s26+s24], $0x80, v0, vm15, $0xb8;
	[tilespmem:$0x2A90] =	vst v63  }
0x77: {  	s29 =	sadd.s32 $0x600, s2;
	s30 =	simm.s32 $0x2290;
	s31 =	simm.s32 $0x1  }
0x78: {  	[tilespmem:s30], [sflag:$0x1] =	stream.indirect_vreg.gather [hbm4b:s29+s24], $0x80, v0, vm15, $0xb8;
	[tilespmem:$0x2A90] =	vst v63  }
0x79: {  	_ =	swait.ge [sflag:s31], $0x2000  }
0x7a: {  	[sflag:s31] =	ssyncset.done $0x0  }
0x7b: {  	[sflag:s31] =	ssyncadd.s32 $0xFFFFE000  }
0x7c: {  	[hbm4b:s1+s24] =	stream.linear.scatter [tilespmem:s25], [sflag:$0x3], $0x2000, $0x38;
	[tilespmem:$0x2A90] =	vst v63  }
0x7d: {  	_ =	swait.ge [sflag:s3], $0x2000  }
0x7e: {  	[sflag:s3] =	ssyncset.done $0x0  }
0x7f: {  	[sflag:s3] =	ssyncadd.s32 $0xFFFFE000  }
0x80: {  	_ =	sfence.sel $0x180000  }
0x81: {  	[bflag:$0x0] =	sbarrier.arrive $0xFFFF  }
0x82: {  	_ =	strace $0x90000047  }
0x83: {  	s0 =	sadd.s32 $0x100000, s0;
	[bflag:$0x2] =	sbarrier.arrive $0xFFFF  }
0x84: {  	[sflag:s0] =	ssyncadd.tile.s32 $0x1;
	_ =	shalt  }
.Lfunc_end2:
_tile_overlayer_lowered:
.L_overlay_start_2:
0x85: {  	(tag) =	ssettag $0x2  }
0x86: {  	s0 =	rddreg [dreg:$0x0];
	s2 =	stileid.u32  }
0x87: {  	s1 =	rddreg [dreg:$0x1];
	p0 =	sne.s32 s2, $0x0  }
0x88: {  	s3 =	rddreg [dreg:$0x2];
	[bflag:$0x3] =	sbarrier.arrive $0xFFFF;
	s2 =	simm.s32 @!p0 $0x1C03  }
0x89: {  	[timem:s3], [sflag:s2] =	dma.local @!p0 [hbm:s0], s1  }
0x8a: {  	s0 =	simm.s32 @!p0 $0x3  }
0x8b: {  	_ =	swait.ge @!p0 [sflag:s0], s1  }
0x8c: {  	s1 =	ssub.s32 @!p0 $0x0, s1;
	[sflag:s0] =	ssyncset.done @!p0 $0x0  }
0x8d: {  	[sflag:s0] =	ssyncadd.s32 @!p0 s1  }
0x8e: {  	[bflag:$0x3] =	sbarrier.arrive $0xFFFF  }
0x8f: {  	_ =	shalt  }

</sc_bundles>
